<compile_context>
chip_gen: v7x
topology: tpu7x:2x2x1
jax: 0.10.2.dev20260603
libtpu: 0.0.44.dev20260713+nightly
codegen_flags: <defaults>
</compile_context>

<pallas_src>
import functools

import jax
import jax.numpy as jnp
from jax import lax
from jax.experimental import pallas as pl
from jax.experimental.pallas import tpu as pltpu
from jax.experimental.pallas import tpu_sc as plsc

_NC = 2
_NS = 16
_NCOMP = 6
_NSHARD = 5
_CH = 5120
_L = 16


def _tc_format(edge_index, forces, torques, be):
    e = forces.shape[0]
    rows = be // 128
    grid = (e // be,)

    def body(ei_r, f_r, t_r, rv, fx, fy, fz, tx, ty, tz):
        rv[...] = jnp.reshape(ei_r[1], (rows, 128)).astype(jnp.int32)
        ft = jnp.transpose(f_r[...])
        tt = jnp.transpose(t_r[...])
        fx[...] = jnp.reshape(ft[0], (rows, 128))
        fy[...] = jnp.reshape(ft[1], (rows, 128))
        fz[...] = jnp.reshape(ft[2], (rows, 128))
        tx[...] = jnp.reshape(tt[0], (rows, 128))
        ty[...] = jnp.reshape(tt[1], (rows, 128))
        tz[...] = jnp.reshape(tt[2], (rows, 128))

    ospec = pl.BlockSpec((rows, 128), lambda i: (i, 0))
    oshape = jax.ShapeDtypeStruct((e // 128, 128), jnp.float32)
    return pl.pallas_call(
        body,
        grid=grid,
        in_specs=[pl.BlockSpec((2, be), lambda i: (0, i))]
        + [pl.BlockSpec((be, 3), lambda i: (i, 0))] * 2,
        out_specs=[ospec] * 7,
        out_shape=[jax.ShapeDtypeStruct((e // 128, 128), jnp.int32)]
        + [oshape] * 6,
    )(edge_index, forces, torques)


def _sc_scatter(recv2d, comps, n):
    erows = recv2d.shape[0]
    srows = erows // _NSHARD
    crows = _CH // 128
    nchunk = srows // crows
    mesh = plsc.VectorSubcoreMesh(core_axis_name="c", subcore_axis_name="s")

    @functools.partial(
        pl.kernel,
        out_type=jax.ShapeDtypeStruct((_NCOMP, _NSHARD, n), jnp.float32),
        mesh=mesh,
        scratch_types=[
            pltpu.VMEM((n,), jnp.float32),
            pltpu.VMEM((crows, 128), jnp.int32),
            pltpu.VMEM((crows, 128), jnp.float32),
        ],
        compiler_params=pltpu.CompilerParams(
            use_tc_tiling_on_sc=False, needs_layout_passes=False),
    )
    def k(recv_h, fx_h, fy_h, fz_h, tx_h, ty_h, tz_h, out, acc, ibuf, pbuf):
        c = lax.axis_index("c")
        s = lax.axis_index("s")
        w = s * _NC + c

        @pl.when(w < _NCOMP * _NSHARD)
        def _():
            comp = w // _NSHARD
            shard = w - comp * _NSHARD

            def zero(i, carry):
                acc[pl.ds(i * _L, _L)] = jnp.zeros((_L,), jnp.float32)
                return carry

            lax.fori_loop(0, n // _L, zero, 0)

            def chunk(i, carry):
                row0 = shard * srows + i * crows
                pltpu.sync_copy(recv_h.at[pl.ds(row0, crows)], ibuf)
                for ci, ch in enumerate((fx_h, fy_h, fz_h, tx_h, ty_h, tz_h)):
                    @pl.when(comp == ci)
                    def _(ch=ch):
                        pltpu.sync_copy(ch.at[pl.ds(row0, crows)], pbuf)

                def rowbody(r8, carry2):
                    for sub in range(128 // _L):
                        r = ibuf[r8, pl.ds(sub * _L, _L)]
                        v = pbuf[r8, pl.ds(sub * _L, _L)]
                        plsc.addupdate_scatter(acc, [r], v)
                    return carry2

                lax.fori_loop(0, crows, rowbody, 0)
                return carry

            lax.fori_loop(0, nchunk, chunk, 0)
            pltpu.sync_copy(acc, out.at[comp, shard])

    return k(recv2d, *comps)


def _tc_mlp_combine(x, w1m, b1m, w2m, b2m, w1i, b1i, w2i, b2i, part, bn):
    n, latent = x.shape
    grid = (n // bn,)

    def body(x_ref, w1m_r, b1m_r, w2m_r, b2m_r, w1i_r, b1i_r, w2i_r, b2i_r,
             p_r, dv_r, dw_r):
        xb = x_ref[...]
        hm = jnp.maximum(
            jnp.dot(xb, w1m_r[...], preferred_element_type=jnp.float32)
            + b1m_r[...], 0.0)
        im = jnp.dot(hm, w2m_r[...], preferred_element_type=jnp.float32) + b2m_r[...]
        hi = jnp.maximum(
            jnp.dot(xb, w1i_r[...], preferred_element_type=jnp.float32)
            + b1i_r[...], 0.0)
        ii = jnp.dot(hi, w2i_r[...], preferred_element_type=jnp.float32) + b2i_r[...]
        p = p_r[...]
        net = p[:, 0] + p[:, 1] + p[:, 2] + p[:, 3] + p[:, 4]
        f = jnp.transpose(net[0:3])
        t = jnp.transpose(net[3:6])
        dv_r[...] = im * f
        dw_r[...] = ii * t

    wspec = pl.BlockSpec((latent, latent), lambda i: (0, 0))
    b1spec = pl.BlockSpec((1, latent), lambda i: (0, 0))
    w2spec = pl.BlockSpec((latent, 1), lambda i: (0, 0))
    b2spec = pl.BlockSpec((1, 1), lambda i: (0, 0))
    pspec = pl.BlockSpec((_NCOMP, _NSHARD, bn), lambda i: (0, 0, i))

    return pl.pallas_call(
        body,
        grid=grid,
        in_specs=[
            pl.BlockSpec((bn, latent), lambda i: (i, 0)),
            wspec, b1spec, w2spec, b2spec,
            wspec, b1spec, w2spec, b2spec,
            pspec,
        ],
        out_specs=[
            pl.BlockSpec((bn, 3), lambda i: (i, 0)),
            pl.BlockSpec((bn, 3), lambda i: (i, 0)),
        ],
        out_shape=[
            jax.ShapeDtypeStruct((n, 3), jnp.float32),
            jax.ShapeDtypeStruct((n, 3), jnp.float32),
        ],
    )(x, w1m.reshape(latent, latent), b1m.reshape(1, latent),
      w2m.reshape(latent, 1), b2m.reshape(1, 1),
      w1i.reshape(latent, latent), b1i.reshape(1, latent),
      w2i.reshape(latent, 1), b2i.reshape(1, 1), part)


def kernel(edge_index, node_latent, edge_forces, edge_torques,
           W1m, b1m, W2m, b2m, W1i, b1i, W2i, b2i):
    n = node_latent.shape[0]
    recv2d, *comps = _tc_format(edge_index, edge_forces, edge_torques, 5120)
    bn = 2048
    npad = -(-n // bn) * bn
    part = _sc_scatter(recv2d, comps, npad)
    xp = jnp.pad(node_latent, ((0, npad - n), (0, 0)))
    dv, dw = _tc_mlp_combine(xp, W1m, b1m, W2m, b2m,
                             W1i, b1i, W2i, b2i, part, bn)
    return (dv[:n], dw[:n])

# --- scband reference (transcript-rebuilt; emitter-appended) ---
"""Pipeline reference for scband-node-internal-dv-decoder-68504728371699 (READ-ONLY COPY).

The authoritative reference and input builder live on the scoring server;
editing this copy changes nothing except your own understanding.
"""

import jax, jax.numpy as jnp
import numpy as np

N_NODES = 100000
N_EDGES = 3200000
LATENT = 128


def _mlp(x, W1, b1, W2, b2):
    # build_mlp_d(latent, latent, 1, num_layers=2, lay_norm=False):
    # Linear(latent->latent) -> ReLU -> Linear(latent->1)
    h = jnp.maximum(x @ W1 + b1, 0.0)
    return h @ W2 + b2


def setup_inputs(seed: int = 0) -> dict:
    key = jax.random.key(seed)
    ks = jax.random.split(key, 12)
    edge_index = jax.random.randint(ks[0], (2, N_EDGES), 0, N_NODES, dtype=jnp.int64)
    node_latent = jax.random.normal(ks[1], (N_NODES, LATENT), dtype=jnp.float32)
    edge_forces = jax.random.normal(ks[2], (N_EDGES, 3), dtype=jnp.float32)
    edge_torques = jax.random.normal(ks[3], (N_EDGES, 3), dtype=jnp.float32)
    s = 1.0 / np.sqrt(LATENT)
    W1m = jax.random.normal(ks[4], (LATENT, LATENT), dtype=jnp.float32) * s
    b1m = jnp.zeros((LATENT,), dtype=jnp.float32)
    W2m = jax.random.normal(ks[5], (LATENT, 1), dtype=jnp.float32) * s
    b2m = jnp.zeros((1,), dtype=jnp.float32)
    W1i = jax.random.normal(ks[6], (LATENT, LATENT), dtype=jnp.float32) * s
    b1i = jnp.zeros((LATENT,), dtype=jnp.float32)
    W2i = jax.random.normal(ks[7], (LATENT, 1), dtype=jnp.float32) * s
    b2i = jnp.zeros((1,), dtype=jnp.float32)
    return {"edge_index": edge_index, "node_latent": node_latent,
            "edge_forces": edge_forces, "edge_torques": edge_torques,
            "W1m": W1m, "b1m": b1m, "W2m": W2m, "b2m": b2m,
            "W1i": W1i, "b1i": b1i, "W2i": W2i, "b2i": b2i}


def reference(edge_index, node_latent, edge_forces, edge_torques,
              W1m, b1m, W2m, b2m, W1i, b1i, W2i, b2i):
    receivers = edge_index[1]
    num_nodes = node_latent.shape[0]
    inverse_mass_dt = _mlp(node_latent, W1m, b1m, W2m, b2m)        # [N, 1]
    inverse_inertia_dt = _mlp(node_latent, W1i, b1i, W2i, b2i)     # [N, 1]
    net_force = jnp.zeros((num_nodes, 3), dtype=node_latent.dtype).at[receivers].add(edge_forces)
    net_torque = jnp.zeros((num_nodes, 3), dtype=node_latent.dtype).at[receivers].add(edge_torques)
    delta_velocity_int = inverse_mass_dt * net_force
    delta_angular_velocity_int = inverse_inertia_dt * net_torque
    return (delta_velocity_int, delta_angular_velocity_int)

if __name__ == "__main__":
    import jax
    _d = setup_inputs()
    print(jax.jit(kernel)(*tuple(_d.values())))

</pallas_src>

<mosaic_0001>
#map = affine_map<(d0, d1) -> (0, 0)>
#map1 = affine_map<(d0, d1) -> (0, 0, 0)>
module attributes {stable_mosaic.version = 14 : i64} {
  func.func @k(%arg0: i32, %arg1: i32, %arg2: memref<25000x128xi32, #tpu.memory_space<hbm>>, %arg3: memref<25000x128xf32, #tpu.memory_space<hbm>>, %arg4: memref<25000x128xf32, #tpu.memory_space<hbm>>, %arg5: memref<25000x128xf32, #tpu.memory_space<hbm>>, %arg6: memref<25000x128xf32, #tpu.memory_space<hbm>>, %arg7: memref<25000x128xf32, #tpu.memory_space<hbm>>, %arg8: memref<25000x128xf32, #tpu.memory_space<hbm>>, %arg9: memref<6x5x100352xf32, #tpu.memory_space<hbm>>, %arg10: memref<100352xf32, #tpu.memory_space<vmem>>, %arg11: memref<40x128xi32, #tpu.memory_space<vmem>>, %arg12: memref<40x128xf32, #tpu.memory_space<vmem>>) attributes {dimension_semantics = [#tpu.dimension_semantics<core_parallel>, #tpu.dimension_semantics<subcore_parallel>], iteration_bounds = array<i64: 2, 16>, scalar_prefetch = 0 : i64, scratch_operands = 3 : i64, tpu.core_type = #tpu.core_type<sc_vector_subcore>, window_params = [{transform_indices = #map}, {transform_indices = #map}, {transform_indices = #map}, {transform_indices = #map}, {transform_indices = #map}, {transform_indices = #map}, {transform_indices = #map}, {transform_indices = #map1}]} {
    %mul3A = arith.constant 2 : i32
    %mul3A_0 = arith.muli %arg1, %mul3A : i32
    %add3A = arith.addi %mul3A_0, %arg0 : i32
    %lt3A = arith.constant 30 : i32
    %lt3A_1 = arith.cmpi slt, %add3A, %lt3A : i32
    %convert_element_type3A = arith.extui %lt3A_1 : i1 to i32
    %cond3A = arith.constant 0 : i32
    %cond3A_2 = arith.cmpi ne, %convert_element_type3A, %cond3A : i32
    scf.if %cond3A_2 {
      %jit3A = arith.constant 5 : i32
      %div3A = arith.divsi %add3A, %jit3A : i32
      %sign3A = arith.constant 0 : i32
      %sign3A_3 = arith.cmpi sgt, %add3A, %sign3A : i32
      %sign3A_4 = arith.extui %sign3A_3 : i1 to i32
      %sign3A_5 = arith.constant 0 : i32
      %sign3A_6 = arith.cmpi slt, %add3A, %sign3A_5 : i32
      %sign3A_7 = arith.extui %sign3A_6 : i1 to i32
      %sign3A_8 = arith.subi %sign3A_4, %sign3A_7 : i32
      %sign3A_9 = arith.constant 0 : i32
      %sign3A_10 = arith.cmpi sgt, %jit3A, %sign3A_9 : i32
      %sign3A_11 = arith.extui %sign3A_10 : i1 to i32
      %sign3A_12 = arith.constant 0 : i32
      %sign3A_13 = arith.cmpi slt, %jit3A, %sign3A_12 : i32
      %sign3A_14 = arith.extui %sign3A_13 : i1 to i32
      %sign3A_15 = arith.subi %sign3A_11, %sign3A_14 : i32
      %ne3A = arith.cmpi ne, %sign3A_8, %sign3A_15 : i32
      %rem3A = arith.remsi %add3A, %jit3A : i32
      %ne3A_16 = arith.constant 0 : i32
      %ne3A_17 = arith.cmpi ne, %rem3A, %ne3A_16 : i32
      %and3A = arith.andi %ne3A, %ne3A_17 : i1
      %sub3A = arith.constant 1 : i32
      %sub3A_18 = arith.subi %div3A, %sub3A : i32
      %select_n3A = arith.select %and3A, %sub3A_18, %div3A : i32
      %mul3A_19 = arith.constant 5 : i32
      %mul3A_20 = arith.muli %select_n3A, %mul3A_19 : i32
      %sub3A_21 = arith.subi %add3A, %mul3A_20 : i32
      %scan3A = arith.constant 0 : i32
      %scan3A_22 = arith.constant 0 : i32
      %scan3A_23 = arith.constant 6272 : i32
      %scan3A_24 = arith.addi %scan3A_22, %scan3A_23 : i32
      %scan3A_25 = arith.constant 1 : i32
      scf.for %scan3A_33 = %scan3A_22 to %scan3A_24 step %scan3A_25  : i32 {
        %broadcast_in_dim3A = arith.constant 0.000000e+00 : f32
        %broadcast_in_dim3A_34 = vector.broadcast %broadcast_in_dim3A : f32 to vector<16xf32>
        %mul3A_35 = arith.constant 16 : i32
        %mul3A_36 = arith.muli %scan3A_33, %mul3A_35 : i32
        %swap3A = arith.index_cast %mul3A_36 : i32 to index
        %swap3A_37 = tpu.vector_load %arg10[%swap3A] {strides = array<i32>} : memref<100352xf32, #tpu.memory_space<vmem>>, vector<16xf32>,
        tpu.vector_store %arg10[%swap3A], %broadcast_in_dim3A_34 {strides = array<i32>} : memref<100352xf32, #tpu.memory_space<vmem>>, vector<16xf32>,
      }
      %scan3A_26 = arith.constant 6272 : i32
      %scan3A_27 = arith.constant 0 : i32
      %scan3A_28 = arith.constant 0 : i32
      %scan3A_29 = arith.constant 125 : i32
      %scan3A_30 = arith.addi %scan3A_28, %scan3A_29 : i32
      %scan3A_31 = arith.constant 1 : i32
      scf.for %scan3A_33 = %scan3A_28 to %scan3A_30 step %scan3A_31  : i32 {
        %mul3A_34 = arith.constant 5000 : i32
        %mul3A_35 = arith.muli %sub3A_21, %mul3A_34 : i32
        %mul3A_36 = arith.constant 40 : i32
        %mul3A_37 = arith.muli %scan3A_33, %mul3A_36 : i32
        %add3A_38 = arith.addi %mul3A_35, %mul3A_37 : i32
        "tpu.region"() ({
          %run_scoped3A = tpu.sem_alloc : memref<!tpu.dma_semaphore, #tpu.memory_space<semaphore_mem>>
          %dma_start3A = arith.constant 0 : i32
          %dma_start3A_74 = tpu.memref_slice %arg2[%add3A_38, %dma_start3A] : memref<25000x128xi32, #tpu.memory_space<hbm>> -> memref<40x128xi32, #tpu.memory_space<hbm>>
          %dma_start3A_75 = arith.constant 0 : i32
          %dma_start3A_76 = tpu.memref_slice %arg2[%add3A_38, %dma_start3A_75] : memref<25000x128xi32, #tpu.memory_space<hbm>> -> memref<40x128xi32, #tpu.memory_space<hbm>>
          tpu.enqueue_dma source(%dma_start3A_76 : memref<40x128xi32, #tpu.memory_space<hbm>>) target(%arg11 : memref<40x128xi32, #tpu.memory_space<vmem>>) target_semaphore(%run_scoped3A : memref<!tpu.dma_semaphore, #tpu.memory_space<semaphore_mem>>)
          %dma_wait3A = arith.constant 0 : i32
          %dma_wait3A_77 = tpu.memref_slice %arg2[%add3A_38, %dma_wait3A] : memref<25000x128xi32, #tpu.memory_space<hbm>> -> memref<40x128xi32, #tpu.memory_space<hbm>>
          %dma_wait3A_78 = arith.constant 0 : i32
          %dma_wait3A_79 = tpu.memref_slice %arg2[%add3A_38, %dma_wait3A_78] : memref<25000x128xi32, #tpu.memory_space<hbm>> -> memref<40x128xi32, #tpu.memory_space<hbm>>
          tpu.wait_dma2 semaphore(%run_scoped3A : memref<!tpu.dma_semaphore, #tpu.memory_space<semaphore_mem>>) src(%dma_wait3A_79 : memref<40x128xi32, #tpu.memory_space<hbm>>) dst(%arg11 : memref<40x128xi32, #tpu.memory_space<vmem>>)
          tpu.yield
        }) : () -> ()
        %eq3A = arith.constant 0 : i32
        %eq3A_39 = arith.cmpi eq, %select_n3A, %eq3A : i32
        %convert_element_type3A_40 = arith.extui %eq3A_39 : i1 to i32
        %cond3A_41 = arith.constant 0 : i32
        %cond3A_42 = arith.cmpi ne, %convert_element_type3A_40, %cond3A_41 : i32
        scf.if %cond3A_42 {
          "tpu.region"() ({
            %run_scoped3A = tpu.sem_alloc : memref<!tpu.dma_semaphore, #tpu.memory_space<semaphore_mem>>
            %dma_start3A = arith.constant 0 : i32
            %dma_start3A_74 = tpu.memref_slice %arg3[%add3A_38, %dma_start3A] : memref<25000x128xf32, #tpu.memory_space<hbm>> -> memref<40x128xf32, #tpu.memory_space<hbm>>
            %dma_start3A_75 = arith.constant 0 : i32
            %dma_start3A_76 = tpu.memref_slice %arg3[%add3A_38, %dma_start3A_75] : memref<25000x128xf32, #tpu.memory_space<hbm>> -> memref<40x128xf32, #tpu.memory_space<hbm>>
            tpu.enqueue_dma source(%dma_start3A_76 : memref<40x128xf32, #tpu.memory_space<hbm>>) target(%arg12 : memref<40x128xf32, #tpu.memory_space<vmem>>) target_semaphore(%run_scoped3A : memref<!tpu.dma_semaphore, #tpu.memory_space<semaphore_mem>>)
            %dma_wait3A = arith.constant 0 : i32
            %dma_wait3A_77 = tpu.memref_slice %arg3[%add3A_38, %dma_wait3A] : memref<25000x128xf32, #tpu.memory_space<hbm>> -> memref<40x128xf32, #tpu.memory_space<hbm>>
            %dma_wait3A_78 = arith.constant 0 : i32
            %dma_wait3A_79 = tpu.memref_slice %arg3[%add3A_38, %dma_wait3A_78] : memref<25000x128xf32, #tpu.memory_space<hbm>> -> memref<40x128xf32, #tpu.memory_space<hbm>>
            tpu.wait_dma2 semaphore(%run_scoped3A : memref<!tpu.dma_semaphore, #tpu.memory_space<semaphore_mem>>) src(%dma_wait3A_79 : memref<40x128xf32, #tpu.memory_space<hbm>>) dst(%arg12 : memref<40x128xf32, #tpu.memory_space<vmem>>)
            tpu.yield
          }) : () -> ()
        } else {
        }
        %eq3A_43 = arith.constant 1 : i32
        %eq3A_44 = arith.cmpi eq, %select_n3A, %eq3A_43 : i32
        %convert_element_type3A_45 = arith.extui %eq3A_44 : i1 to i32
        %cond3A_46 = arith.constant 0 : i32
        %cond3A_47 = arith.cmpi ne, %convert_element_type3A_45, %cond3A_46 : i32
        scf.if %cond3A_47 {
          "tpu.region"() ({
            %run_scoped3A = tpu.sem_alloc : memref<!tpu.dma_semaphore, #tpu.memory_space<semaphore_mem>>
            %dma_start3A = arith.constant 0 : i32
            %dma_start3A_74 = tpu.memref_slice %arg4[%add3A_38, %dma_start3A] : memref<25000x128xf32, #tpu.memory_space<hbm>> -> memref<40x128xf32, #tpu.memory_space<hbm>>
            %dma_start3A_75 = arith.constant 0 : i32
            %dma_start3A_76 = tpu.memref_slice %arg4[%add3A_38, %dma_start3A_75] : memref<25000x128xf32, #tpu.memory_space<hbm>> -> memref<40x128xf32, #tpu.memory_space<hbm>>
            tpu.enqueue_dma source(%dma_start3A_76 : memref<40x128xf32, #tpu.memory_space<hbm>>) target(%arg12 : memref<40x128xf32, #tpu.memory_space<vmem>>) target_semaphore(%run_scoped3A : memref<!tpu.dma_semaphore, #tpu.memory_space<semaphore_mem>>)
            %dma_wait3A = arith.constant 0 : i32
            %dma_wait3A_77 = tpu.memref_slice %arg4[%add3A_38, %dma_wait3A] : memref<25000x128xf32, #tpu.memory_space<hbm>> -> memref<40x128xf32, #tpu.memory_space<hbm>>
            %dma_wait3A_78 = arith.constant 0 : i32
            %dma_wait3A_79 = tpu.memref_slice %arg4[%add3A_38, %dma_wait3A_78] : memref<25000x128xf32, #tpu.memory_space<hbm>> -> memref<40x128xf32, #tpu.memory_space<hbm>>
            tpu.wait_dma2 semaphore(%run_scoped3A : memref<!tpu.dma_semaphore, #tpu.memory_space<semaphore_mem>>) src(%dma_wait3A_79 : memref<40x128xf32, #tpu.memory_space<hbm>>) dst(%arg12 : memref<40x128xf32, #tpu.memory_space<vmem>>)
            tpu.yield
          }) : () -> ()
        } else {
        }
        %eq3A_48 = arith.constant 2 : i32
        %eq3A_49 = arith.cmpi eq, %select_n3A, %eq3A_48 : i32
        %convert_element_type3A_50 = arith.extui %eq3A_49 : i1 to i32
        %cond3A_51 = arith.constant 0 : i32
        %cond3A_52 = arith.cmpi ne, %convert_element_type3A_50, %cond3A_51 : i32
        scf.if %cond3A_52 {
          "tpu.region"() ({
            %run_scoped3A = tpu.sem_alloc : memref<!tpu.dma_semaphore, #tpu.memory_space<semaphore_mem>>
            %dma_start3A = arith.constant 0 : i32
            %dma_start3A_74 = tpu.memref_slice %arg5[%add3A_38, %dma_start3A] : memref<25000x128xf32, #tpu.memory_space<hbm>> -> memref<40x128xf32, #tpu.memory_space<hbm>>
            %dma_start3A_75 = arith.constant 0 : i32
            %dma_start3A_76 = tpu.memref_slice %arg5[%add3A_38, %dma_start3A_75] : memref<25000x128xf32, #tpu.memory_space<hbm>> -> memref<40x128xf32, #tpu.memory_space<hbm>>
            tpu.enqueue_dma source(%dma_start3A_76 : memref<40x128xf32, #tpu.memory_space<hbm>>) target(%arg12 : memref<40x128xf32, #tpu.memory_space<vmem>>) target_semaphore(%run_scoped3A : memref<!tpu.dma_semaphore, #tpu.memory_space<semaphore_mem>>)
            %dma_wait3A = arith.constant 0 : i32
            %dma_wait3A_77 = tpu.memref_slice %arg5[%add3A_38, %dma_wait3A] : memref<25000x128xf32, #tpu.memory_space<hbm>> -> memref<40x128xf32, #tpu.memory_space<hbm>>
            %dma_wait3A_78 = arith.constant 0 : i32
            %dma_wait3A_79 = tpu.memref_slice %arg5[%add3A_38, %dma_wait3A_78] : memref<25000x128xf32, #tpu.memory_space<hbm>> -> memref<40x128xf32, #tpu.memory_space<hbm>>
            tpu.wait_dma2 semaphore(%run_scoped3A : memref<!tpu.dma_semaphore, #tpu.memory_space<semaphore_mem>>) src(%dma_wait3A_79 : memref<40x128xf32, #tpu.memory_space<hbm>>) dst(%arg12 : memref<40x128xf32, #tpu.memory_space<vmem>>)
            tpu.yield
          }) : () -> ()
        } else {
        }
        %eq3A_53 = arith.constant 3 : i32
        %eq3A_54 = arith.cmpi eq, %select_n3A, %eq3A_53 : i32
        %convert_element_type3A_55 = arith.extui %eq3A_54 : i1 to i32
        %cond3A_56 = arith.constant 0 : i32
        %cond3A_57 = arith.cmpi ne, %convert_element_type3A_55, %cond3A_56 : i32
        scf.if %cond3A_57 {
          "tpu.region"() ({
            %run_scoped3A = tpu.sem_alloc : memref<!tpu.dma_semaphore, #tpu.memory_space<semaphore_mem>>
            %dma_start3A = arith.constant 0 : i32
            %dma_start3A_74 = tpu.memref_slice %arg6[%add3A_38, %dma_start3A] : memref<25000x128xf32, #tpu.memory_space<hbm>> -> memref<40x128xf32, #tpu.memory_space<hbm>>
            %dma_start3A_75 = arith.constant 0 : i32
            %dma_start3A_76 = tpu.memref_slice %arg6[%add3A_38, %dma_start3A_75] : memref<25000x128xf32, #tpu.memory_space<hbm>> -> memref<40x128xf32, #tpu.memory_space<hbm>>
            tpu.enqueue_dma source(%dma_start3A_76 : memref<40x128xf32, #tpu.memory_space<hbm>>) target(%arg12 : memref<40x128xf32, #tpu.memory_space<vmem>>) target_semaphore(%run_scoped3A : memref<!tpu.dma_semaphore, #tpu.memory_space<semaphore_mem>>)
            %dma_wait3A = arith.constant 0 : i32
            %dma_wait3A_77 = tpu.memref_slice %arg6[%add3A_38, %dma_wait3A] : memref<25000x128xf32, #tpu.memory_space<hbm>> -> memref<40x128xf32, #tpu.memory_space<hbm>>
            %dma_wait3A_78 = arith.constant 0 : i32
            %dma_wait3A_79 = tpu.memref_slice %arg6[%add3A_38, %dma_wait3A_78] : memref<25000x128xf32, #tpu.memory_space<hbm>> -> memref<40x128xf32, #tpu.memory_space<hbm>>
            tpu.wait_dma2 semaphore(%run_scoped3A : memref<!tpu.dma_semaphore, #tpu.memory_space<semaphore_mem>>) src(%dma_wait3A_79 : memref<40x128xf32, #tpu.memory_space<hbm>>) dst(%arg12 : memref<40x128xf32, #tpu.memory_space<vmem>>)
            tpu.yield
          }) : () -> ()
        } else {
        }
        %eq3A_58 = arith.constant 4 : i32
        %eq3A_59 = arith.cmpi eq, %select_n3A, %eq3A_58 : i32
        %convert_element_type3A_60 = arith.extui %eq3A_59 : i1 to i32
        %cond3A_61 = arith.constant 0 : i32
        %cond3A_62 = arith.cmpi ne, %convert_element_type3A_60, %cond3A_61 : i32
        scf.if %cond3A_62 {
          "tpu.region"() ({
            %run_scoped3A = tpu.sem_alloc : memref<!tpu.dma_semaphore, #tpu.memory_space<semaphore_mem>>
            %dma_start3A = arith.constant 0 : i32
            %dma_start3A_74 = tpu.memref_slice %arg7[%add3A_38, %dma_start3A] : memref<25000x128xf32, #tpu.memory_space<hbm>> -> memref<40x128xf32, #tpu.memory_space<hbm>>
            %dma_start3A_75 = arith.constant 0 : i32
            %dma_start3A_76 = tpu.memref_slice %arg7[%add3A_38, %dma_start3A_75] : memref<25000x128xf32, #tpu.memory_space<hbm>> -> memref<40x128xf32, #tpu.memory_space<hbm>>
            tpu.enqueue_dma source(%dma_start3A_76 : memref<40x128xf32, #tpu.memory_space<hbm>>) target(%arg12 : memref<40x128xf32, #tpu.memory_space<vmem>>) target_semaphore(%run_scoped3A : memref<!tpu.dma_semaphore, #tpu.memory_space<semaphore_mem>>)
            %dma_wait3A = arith.constant 0 : i32
            %dma_wait3A_77 = tpu.memref_slice %arg7[%add3A_38, %dma_wait3A] : memref<25000x128xf32, #tpu.memory_space<hbm>> -> memref<40x128xf32, #tpu.memory_space<hbm>>
            %dma_wait3A_78 = arith.constant 0 : i32
            %dma_wait3A_79 = tpu.memref_slice %arg7[%add3A_38, %dma_wait3A_78] : memref<25000x128xf32, #tpu.memory_space<hbm>> -> memref<40x128xf32, #tpu.memory_space<hbm>>
            tpu.wait_dma2 semaphore(%run_scoped3A : memref<!tpu.dma_semaphore, #tpu.memory_space<semaphore_mem>>) src(%dma_wait3A_79 : memref<40x128xf32, #tpu.memory_space<hbm>>) dst(%arg12 : memref<40x128xf32, #tpu.memory_space<vmem>>)
            tpu.yield
          }) : () -> ()
        } else {
        }
        %eq3A_63 = arith.constant 5 : i32
        %eq3A_64 = arith.cmpi eq, %select_n3A, %eq3A_63 : i32
        %convert_element_type3A_65 = arith.extui %eq3A_64 : i1 to i32
        %cond3A_66 = arith.constant 0 : i32
        %cond3A_67 = arith.cmpi ne, %convert_element_type3A_65, %cond3A_66 : i32
        scf.if %cond3A_67 {
          "tpu.region"() ({
            %run_scoped3A = tpu.sem_alloc : memref<!tpu.dma_semaphore, #tpu.memory_space<semaphore_mem>>
            %dma_start3A = arith.constant 0 : i32
            %dma_start3A_74 = tpu.memref_slice %arg8[%add3A_38, %dma_start3A] : memref<25000x128xf32, #tpu.memory_space<hbm>> -> memref<40x128xf32, #tpu.memory_space<hbm>>
            %dma_start3A_75 = arith.constant 0 : i32
            %dma_start3A_76 = tpu.memref_slice %arg8[%add3A_38, %dma_start3A_75] : memref<25000x128xf32, #tpu.memory_space<hbm>> -> memref<40x128xf32, #tpu.memory_space<hbm>>
            tpu.enqueue_dma source(%dma_start3A_76 : memref<40x128xf32, #tpu.memory_space<hbm>>) target(%arg12 : memref<40x128xf32, #tpu.memory_space<vmem>>) target_semaphore(%run_scoped3A : memref<!tpu.dma_semaphore, #tpu.memory_space<semaphore_mem>>)
            %dma_wait3A = arith.constant 0 : i32
            %dma_wait3A_77 = tpu.memref_slice %arg8[%add3A_38, %dma_wait3A] : memref<25000x128xf32, #tpu.memory_space<hbm>> -> memref<40x128xf32, #tpu.memory_space<hbm>>
            %dma_wait3A_78 = arith.constant 0 : i32
            %dma_wait3A_79 = tpu.memref_slice %arg8[%add3A_38, %dma_wait3A_78] : memref<25000x128xf32, #tpu.memory_space<hbm>> -> memref<40x128xf32, #tpu.memory_space<hbm>>
            tpu.wait_dma2 semaphore(%run_scoped3A : memref<!tpu.dma_semaphore, #tpu.memory_space<semaphore_mem>>) src(%dma_wait3A_79 : memref<40x128xf32, #tpu.memory_space<hbm>>) dst(%arg12 : memref<40x128xf32, #tpu.memory_space<vmem>>)
            tpu.yield
          }) : () -> ()
        } else {
        }
        %scan3A_68 = arith.constant 0 : i32
        %scan3A_69 = arith.constant 0 : i32
        %scan3A_70 = arith.constant 40 : i32
        %scan3A_71 = arith.addi %scan3A_69, %scan3A_70 : i32
        %scan3A_72 = arith.constant 1 : i32
        scf.for %scan3A_74 = %scan3A_69 to %scan3A_71 step %scan3A_72  : i32 {
          %get3A = arith.index_cast %scan3A_74 : i32 to index
          %get3A_75 = arith.constant 0 : index
          %get3A_76 = tpu.vector_load %arg11[%get3A, %get3A_75] {strides = array<i32>} : memref<40x128xi32, #tpu.memory_space<vmem>>, vector<16xi32>,
          %get3A_77 = arith.index_cast %scan3A_74 : i32 to index
          %get3A_78 = arith.constant 0 : index
          %get3A_79 = tpu.vector_load %arg12[%get3A_77, %get3A_78] {strides = array<i32>} : memref<40x128xf32, #tpu.memory_space<vmem>>, vector<16xf32>,
          tpu.vector_store_idx %arg10[%get3A_76], %get3A_79 {add = true} : memref<100352xf32, #tpu.memory_space<vmem>>[vector<16xi32>], vector<16xf32>,
          %get3A_80 = arith.index_cast %scan3A_74 : i32 to index
          %get3A_81 = arith.constant 16 : index
          %get3A_82 = tpu.vector_load %arg11[%get3A_80, %get3A_81] {strides = array<i32>} : memref<40x128xi32, #tpu.memory_space<vmem>>, vector<16xi32>,
          %get3A_83 = arith.index_cast %scan3A_74 : i32 to index
          %get3A_84 = arith.constant 16 : index
          %get3A_85 = tpu.vector_load %arg12[%get3A_83, %get3A_84] {strides = array<i32>} : memref<40x128xf32, #tpu.memory_space<vmem>>, vector<16xf32>,
          tpu.vector_store_idx %arg10[%get3A_82], %get3A_85 {add = true} : memref<100352xf32, #tpu.memory_space<vmem>>[vector<16xi32>], vector<16xf32>,
          %get3A_86 = arith.index_cast %scan3A_74 : i32 to index
          %get3A_87 = arith.constant 32 : index
          %get3A_88 = tpu.vector_load %arg11[%get3A_86, %get3A_87] {strides = array<i32>} : memref<40x128xi32, #tpu.memory_space<vmem>>, vector<16xi32>,
          %get3A_89 = arith.index_cast %scan3A_74 : i32 to index
          %get3A_90 = arith.constant 32 : index
          %get3A_91 = tpu.vector_load %arg12[%get3A_89, %get3A_90] {strides = array<i32>} : memref<40x128xf32, #tpu.memory_space<vmem>>, vector<16xf32>,
          tpu.vector_store_idx %arg10[%get3A_88], %get3A_91 {add = true} : memref<100352xf32, #tpu.memory_space<vmem>>[vector<16xi32>], vector<16xf32>,
          %get3A_92 = arith.index_cast %scan3A_74 : i32 to index
          %get3A_93 = arith.constant 48 : index
          %get3A_94 = tpu.vector_load %arg11[%get3A_92, %get3A_93] {strides = array<i32>} : memref<40x128xi32, #tpu.memory_space<vmem>>, vector<16xi32>,
          %get3A_95 = arith.index_cast %scan3A_74 : i32 to index
          %get3A_96 = arith.constant 48 : index
          %get3A_97 = tpu.vector_load %arg12[%get3A_95, %get3A_96] {strides = array<i32>} : memref<40x128xf32, #tpu.memory_space<vmem>>, vector<16xf32>,
          tpu.vector_store_idx %arg10[%get3A_94], %get3A_97 {add = true} : memref<100352xf32, #tpu.memory_space<vmem>>[vector<16xi32>], vector<16xf32>,
          %get3A_98 = arith.index_cast %scan3A_74 : i32 to index
          %get3A_99 = arith.constant 64 : index
          %get3A_100 = tpu.vector_load %arg11[%get3A_98, %get3A_99] {strides = array<i32>} : memref<40x128xi32, #tpu.memory_space<vmem>>, vector<16xi32>,
          %get3A_101 = arith.index_cast %scan3A_74 : i32 to index
          %get3A_102 = arith.constant 64 : index
          %get3A_103 = tpu.vector_load %arg12[%get3A_101, %get3A_102] {strides = array<i32>} : memref<40x128xf32, #tpu.memory_space<vmem>>, vector<16xf32>,
          tpu.vector_store_idx %arg10[%get3A_100], %get3A_103 {add = true} : memref<100352xf32, #tpu.memory_space<vmem>>[vector<16xi32>], vector<16xf32>,
          %get3A_104 = arith.index_cast %scan3A_74 : i32 to index
          %get3A_105 = arith.constant 80 : index
          %get3A_106 = tpu.vector_load %arg11[%get3A_104, %get3A_105] {strides = array<i32>} : memref<40x128xi32, #tpu.memory_space<vmem>>, vector<16xi32>,
          %get3A_107 = arith.index_cast %scan3A_74 : i32 to index
          %get3A_108 = arith.constant 80 : index
          %get3A_109 = tpu.vector_load %arg12[%get3A_107, %get3A_108] {strides = array<i32>} : memref<40x128xf32, #tpu.memory_space<vmem>>, vector<16xf32>,
          tpu.vector_store_idx %arg10[%get3A_106], %get3A_109 {add = true} : memref<100352xf32, #tpu.memory_space<vmem>>[vector<16xi32>], vector<16xf32>,
          %get3A_110 = arith.index_cast %scan3A_74 : i32 to index
          %get3A_111 = arith.constant 96 : index
          %get3A_112 = tpu.vector_load %arg11[%get3A_110, %get3A_111] {strides = array<i32>} : memref<40x128xi32, #tpu.memory_space<vmem>>, vector<16xi32>,
          %get3A_113 = arith.index_cast %scan3A_74 : i32 to index
          %get3A_114 = arith.constant 96 : index
          %get3A_115 = tpu.vector_load %arg12[%get3A_113, %get3A_114] {strides = array<i32>} : memref<40x128xf32, #tpu.memory_space<vmem>>, vector<16xf32>,
          tpu.vector_store_idx %arg10[%get3A_112], %get3A_115 {add = true} : memref<100352xf32, #tpu.memory_space<vmem>>[vector<16xi32>], vector<16xf32>,
          %get3A_116 = arith.index_cast %scan3A_74 : i32 to index
          %get3A_117 = arith.constant 112 : index
          %get3A_118 = tpu.vector_load %arg11[%get3A_116, %get3A_117] {strides = array<i32>} : memref<40x128xi32, #tpu.memory_space<vmem>>, vector<16xi32>,
          %get3A_119 = arith.index_cast %scan3A_74 : i32 to index
          %get3A_120 = arith.constant 112 : index
          %get3A_121 = tpu.vector_load %arg12[%get3A_119, %get3A_120] {strides = array<i32>} : memref<40x128xf32, #tpu.memory_space<vmem>>, vector<16xf32>,
          tpu.vector_store_idx %arg10[%get3A_118], %get3A_121 {add = true} : memref<100352xf32, #tpu.memory_space<vmem>>[vector<16xi32>], vector<16xf32>,
        }
        %scan3A_73 = arith.constant 40 : i32
      }
      %scan3A_32 = arith.constant 125 : i32
      "tpu.region"() ({
        %run_scoped3A = tpu.sem_alloc : memref<!tpu.dma_semaphore, #tpu.memory_space<semaphore_mem>>
        %dma_start3A = arith.constant 0 : i32
        %dma_start3A_33 = tpu.memref_slice %arg9[%select_n3A, %sub3A_21, %dma_start3A] : memref<6x5x100352xf32, #tpu.memory_space<hbm>> -> memref<1x1x100352xf32, #tpu.memory_space<hbm>>
        %dma_start3A_34 = tpu.memref_squeeze %dma_start3A_33 : memref<1x1x100352xf32, #tpu.memory_space<hbm>> -> memref<100352xf32, #tpu.memory_space<hbm>>
        %dma_start3A_35 = arith.constant 0 : i32
        %dma_start3A_36 = tpu.memref_slice %arg9[%select_n3A, %sub3A_21, %dma_start3A_35] : memref<6x5x100352xf32, #tpu.memory_space<hbm>> -> memref<1x1x100352xf32, #tpu.memory_space<hbm>>
        %dma_start3A_37 = tpu.memref_squeeze %dma_start3A_36 : memref<1x1x100352xf32, #tpu.memory_space<hbm>> -> memref<100352xf32, #tpu.memory_space<hbm>>
        tpu.enqueue_dma source(%arg10 : memref<100352xf32, #tpu.memory_space<vmem>>) target(%dma_start3A_37 : memref<100352xf32, #tpu.memory_space<hbm>>) target_semaphore(%run_scoped3A : memref<!tpu.dma_semaphore, #tpu.memory_space<semaphore_mem>>)
        %dma_wait3A = arith.constant 0 : i32
        %dma_wait3A_38 = tpu.memref_slice %arg9[%select_n3A, %sub3A_21, %dma_wait3A] : memref<6x5x100352xf32, #tpu.memory_space<hbm>> -> memref<1x1x100352xf32, #tpu.memory_space<hbm>>
        %dma_wait3A_39 = tpu.memref_squeeze %dma_wait3A_38 : memref<1x1x100352xf32, #tpu.memory_space<hbm>> -> memref<100352xf32, #tpu.memory_space<hbm>>
        %dma_wait3A_40 = arith.constant 0 : i32
        %dma_wait3A_41 = tpu.memref_slice %arg9[%select_n3A, %sub3A_21, %dma_wait3A_40] : memref<6x5x100352xf32, #tpu.memory_space<hbm>> -> memref<1x1x100352xf32, #tpu.memory_space<hbm>>
        %dma_wait3A_42 = tpu.memref_squeeze %dma_wait3A_41 : memref<1x1x100352xf32, #tpu.memory_space<hbm>> -> memref<100352xf32, #tpu.memory_space<hbm>>
        tpu.wait_dma2 semaphore(%run_scoped3A : memref<!tpu.dma_semaphore, #tpu.memory_space<semaphore_mem>>) src(%arg10 : memref<100352xf32, #tpu.memory_space<vmem>>) dst(%dma_wait3A_42 : memref<100352xf32, #tpu.memory_space<hbm>>)
        tpu.yield
      }) : () -> ()
    } else {
    }
    return
  }
}

module attributes {stable_mosaic.version = 14 : i64} {
  func.func @body(%arg0: i32, %arg1: memref<2x5120xi32, #tpu.memory_space<vmem>>, %arg2: memref<5120x3xf32, #tpu.memory_space<vmem>>, %arg3: memref<5120x3xf32, #tpu.memory_space<vmem>>, %arg4: memref<40x128xi32, #tpu.memory_space<vmem>>, %arg5: memref<40x128xf32, #tpu.memory_space<vmem>>, %arg6: memref<40x128xf32, #tpu.memory_space<vmem>>, %arg7: memref<40x128xf32, #tpu.memory_space<vmem>>, %arg8: memref<40x128xf32, #tpu.memory_space<vmem>>, %arg9: memref<40x128xf32, #tpu.memory_space<vmem>>, %arg10: memref<40x128xf32, #tpu.memory_space<vmem>>) attributes {dimension_semantics = [#tpu.dimension_semantics<arbitrary>], iteration_bounds = array<i64: 625>, scalar_prefetch = 0 : i64, scratch_operands = 0 : i64, tpu.core_type = #tpu.core_type<tc>, window_params = [{transform_indices = @transform_0, window_bounds = array<i64: 2, 5120>}, {transform_indices = @transform_1, window_bounds = array<i64: 5120, 3>}, {transform_indices = @transform_2, window_bounds = array<i64: 5120, 3>}, {transform_indices = @transform_3, window_bounds = array<i64: 40, 128>}, {transform_indices = @transform_4, window_bounds = array<i64: 40, 128>}, {transform_indices = @transform_5, window_bounds = array<i64: 40, 128>}, {transform_indices = @transform_6, window_bounds = array<i64: 40, 128>}, {transform_indices = @transform_7, window_bounds = array<i64: 40, 128>}, {transform_indices = @transform_8, window_bounds = array<i64: 40, 128>}, {transform_indices = @transform_9, window_bounds = array<i64: 40, 128>}]} {
    %get3A = arith.constant 1 : index
    %get3A_0 = arith.constant 0 : index
    %get3A_1 = vector.load %arg1[%get3A, %get3A_0] : memref<2x5120xi32, #tpu.memory_space<vmem>>, vector<1x5120xi32>
    %get3A_2 = vector.shape_cast %get3A_1 : vector<1x5120xi32> to vector<5120xi32>
    %reshape3A = vector.shape_cast %get3A_2 : vector<5120xi32> to vector<40x128xi32>
    %swap3A = arith.constant 0 : index
    %swap3A_3 = arith.constant 0 : index
    %swap3A_4 = vector.load %arg4[%swap3A, %swap3A_3] : memref<40x128xi32, #tpu.memory_space<vmem>>, vector<40x128xi32>
    tpu.vector_store %arg4[%swap3A, %swap3A_3], %reshape3A {strides = array<i32>} : memref<40x128xi32, #tpu.memory_space<vmem>>, vector<40x128xi32>,
    %get3A_5 = arith.constant 0 : index
    %get3A_6 = arith.constant 0 : index
    %get3A_7 = vector.load %arg2[%get3A_5, %get3A_6] : memref<5120x3xf32, #tpu.memory_space<vmem>>, vector<5120x3xf32>
    %transpose3A = tpu.transpose %get3A_7, [1, 0] : vector<5120x3xf32> -> vector<3x5120xf32>
    %get3A_8 = arith.constant 0 : index
    %get3A_9 = arith.constant 0 : index
    %get3A_10 = vector.load %arg3[%get3A_8, %get3A_9] : memref<5120x3xf32, #tpu.memory_space<vmem>>, vector<5120x3xf32>
    %transpose3A_11 = tpu.transpose %get3A_10, [1, 0] : vector<5120x3xf32> -> vector<3x5120xf32>
    %slice3A = vector.extract_strided_slice %transpose3A {offsets = [0, 0], sizes = [1, 5120], strides = [1, 1]} : vector<3x5120xf32> to vector<1x5120xf32>
    %squeeze3A = vector.shape_cast %slice3A : vector<1x5120xf32> to vector<5120xf32>
    %reshape3A_12 = vector.shape_cast %squeeze3A : vector<5120xf32> to vector<40x128xf32>
    %swap3A_13 = arith.constant 0 : index
    %swap3A_14 = arith.constant 0 : index
    %swap3A_15 = vector.load %arg5[%swap3A_13, %swap3A_14] : memref<40x128xf32, #tpu.memory_space<vmem>>, vector<40x128xf32>
    tpu.vector_store %arg5[%swap3A_13, %swap3A_14], %reshape3A_12 {strides = array<i32>} : memref<40x128xf32, #tpu.memory_space<vmem>>, vector<40x128xf32>,
    %slice3A_16 = vector.extract_strided_slice %transpose3A {offsets = [1, 0], sizes = [1, 5120], strides = [1, 1]} : vector<3x5120xf32> to vector<1x5120xf32>
    %squeeze3A_17 = vector.shape_cast %slice3A_16 : vector<1x5120xf32> to vector<5120xf32>
    %reshape3A_18 = vector.shape_cast %squeeze3A_17 : vector<5120xf32> to vector<40x128xf32>
    %swap3A_19 = arith.constant 0 : index
    %swap3A_20 = arith.constant 0 : index
    %swap3A_21 = vector.load %arg6[%swap3A_19, %swap3A_20] : memref<40x128xf32, #tpu.memory_space<vmem>>, vector<40x128xf32>
    tpu.vector_store %arg6[%swap3A_19, %swap3A_20], %reshape3A_18 {strides = array<i32>} : memref<40x128xf32, #tpu.memory_space<vmem>>, vector<40x128xf32>,
    %slice3A_22 = vector.extract_strided_slice %transpose3A {offsets = [2, 0], sizes = [1, 5120], strides = [1, 1]} : vector<3x5120xf32> to vector<1x5120xf32>
    %squeeze3A_23 = vector.shape_cast %slice3A_22 : vector<1x5120xf32> to vector<5120xf32>
    %reshape3A_24 = vector.shape_cast %squeeze3A_23 : vector<5120xf32> to vector<40x128xf32>
    %swap3A_25 = arith.constant 0 : index
    %swap3A_26 = arith.constant 0 : index
    %swap3A_27 = vector.load %arg7[%swap3A_25, %swap3A_26] : memref<40x128xf32, #tpu.memory_space<vmem>>, vector<40x128xf32>
    tpu.vector_store %arg7[%swap3A_25, %swap3A_26], %reshape3A_24 {strides = array<i32>} : memref<40x128xf32, #tpu.memory_space<vmem>>, vector<40x128xf32>,
    %slice3A_28 = vector.extract_strided_slice %transpose3A_11 {offsets = [0, 0], sizes = [1, 5120], strides = [1, 1]} : vector<3x5120xf32> to vector<1x5120xf32>
    %squeeze3A_29 = vector.shape_cast %slice3A_28 : vector<1x5120xf32> to vector<5120xf32>
    %reshape3A_30 = vector.shape_cast %squeeze3A_29 : vector<5120xf32> to vector<40x128xf32>
    %swap3A_31 = arith.constant 0 : index
    %swap3A_32 = arith.constant 0 : index
    %swap3A_33 = vector.load %arg8[%swap3A_31, %swap3A_32] : memref<40x128xf32, #tpu.memory_space<vmem>>, vector<40x128xf32>
    tpu.vector_store %arg8[%swap3A_31, %swap3A_32], %reshape3A_30 {strides = array<i32>} : memref<40x128xf32, #tpu.memory_space<vmem>>, vector<40x128xf32>,
    %slice3A_34 = vector.extract_strided_slice %transpose3A_11 {offsets = [1, 0], sizes = [1, 5120], strides = [1, 1]} : vector<3x5120xf32> to vector<1x5120xf32>
    %squeeze3A_35 = vector.shape_cast %slice3A_34 : vector<1x5120xf32> to vector<5120xf32>
    %reshape3A_36 = vector.shape_cast %squeeze3A_35 : vector<5120xf32> to vector<40x128xf32>
    %swap3A_37 = arith.constant 0 : index
    %swap3A_38 = arith.constant 0 : index
    %swap3A_39 = vector.load %arg9[%swap3A_37, %swap3A_38] : memref<40x128xf32, #tpu.memory_space<vmem>>, vector<40x128xf32>
    tpu.vector_store %arg9[%swap3A_37, %swap3A_38], %reshape3A_36 {strides = array<i32>} : memref<40x128xf32, #tpu.memory_space<vmem>>, vector<40x128xf32>,
    %slice3A_40 = vector.extract_strided_slice %transpose3A_11 {offsets = [2, 0], sizes = [1, 5120], strides = [1, 1]} : vector<3x5120xf32> to vector<1x5120xf32>
    %squeeze3A_41 = vector.shape_cast %slice3A_40 : vector<1x5120xf32> to vector<5120xf32>
    %reshape3A_42 = vector.shape_cast %squeeze3A_41 : vector<5120xf32> to vector<40x128xf32>
    %swap3A_43 = arith.constant 0 : index
    %swap3A_44 = arith.constant 0 : index
    %swap3A_45 = vector.load %arg10[%swap3A_43, %swap3A_44] : memref<40x128xf32, #tpu.memory_space<vmem>>, vector<40x128xf32>
    tpu.vector_store %arg10[%swap3A_43, %swap3A_44], %reshape3A_42 {strides = array<i32>} : memref<40x128xf32, #tpu.memory_space<vmem>>, vector<40x128xf32>,
    return
  }
  func.func @transform_0(%arg0: i32) -> (i32, i32) {
    %c0_i32 = arith.constant 0 : i32
    %c0_i32_0 = arith.constant 0 : i32
    return %c0_i32, %arg0 : i32, i32
  }
  func.func @transform_1(%arg0: i32) -> (i32, i32) {
    %c0_i32 = arith.constant 0 : i32
    %c0_i32_0 = arith.constant 0 : i32
    return %arg0, %c0_i32 : i32, i32
  }
  func.func @transform_2(%arg0: i32) -> (i32, i32) {
    %c0_i32 = arith.constant 0 : i32
    %c0_i32_0 = arith.constant 0 : i32
    return %arg0, %c0_i32 : i32, i32
  }
  func.func @transform_3(%arg0: i32) -> (i32, i32) {
    %c0_i32 = arith.constant 0 : i32
    %c0_i32_0 = arith.constant 0 : i32
    return %arg0, %c0_i32 : i32, i32
  }
  func.func @transform_4(%arg0: i32) -> (i32, i32) {
    %c0_i32 = arith.constant 0 : i32
    %c0_i32_0 = arith.constant 0 : i32
    return %arg0, %c0_i32 : i32, i32
  }
  func.func @transform_5(%arg0: i32) -> (i32, i32) {
    %c0_i32 = arith.constant 0 : i32
    %c0_i32_0 = arith.constant 0 : i32
    return %arg0, %c0_i32 : i32, i32
  }
  func.func @transform_6(%arg0: i32) -> (i32, i32) {
    %c0_i32 = arith.constant 0 : i32
    %c0_i32_0 = arith.constant 0 : i32
    return %arg0, %c0_i32 : i32, i32
  }
  func.func @transform_7(%arg0: i32) -> (i32, i32) {
    %c0_i32 = arith.constant 0 : i32
    %c0_i32_0 = arith.constant 0 : i32
    return %arg0, %c0_i32 : i32, i32
  }
  func.func @transform_8(%arg0: i32) -> (i32, i32) {
    %c0_i32 = arith.constant 0 : i32
    %c0_i32_0 = arith.constant 0 : i32
    return %arg0, %c0_i32 : i32, i32
  }
  func.func @transform_9(%arg0: i32) -> (i32, i32) {
    %c0_i32 = arith.constant 0 : i32
    %c0_i32_0 = arith.constant 0 : i32
    return %arg0, %c0_i32 : i32, i32
  }
}

module attributes {stable_mosaic.version = 14 : i64} {
  func.func @body(%arg0: i32, %arg1: memref<2048x128xf32, #tpu.memory_space<vmem>>, %arg2: memref<128x128xf32, #tpu.memory_space<vmem>>, %arg3: memref<1x128xf32, #tpu.memory_space<vmem>>, %arg4: memref<128x1xf32, #tpu.memory_space<vmem>>, %arg5: memref<1x1xf32, #tpu.memory_space<vmem>>, %arg6: memref<128x128xf32, #tpu.memory_space<vmem>>, %arg7: memref<1x128xf32, #tpu.memory_space<vmem>>, %arg8: memref<128x1xf32, #tpu.memory_space<vmem>>, %arg9: memref<1x1xf32, #tpu.memory_space<vmem>>, %arg10: memref<6x5x2048xf32, #tpu.memory_space<vmem>>, %arg11: memref<2048x3xf32, #tpu.memory_space<vmem>>, %arg12: memref<2048x3xf32, #tpu.memory_space<vmem>>) attributes {dimension_semantics = [#tpu.dimension_semantics<arbitrary>], iteration_bounds = array<i64: 49>, scalar_prefetch = 0 : i64, scratch_operands = 0 : i64, tpu.core_type = #tpu.core_type<tc>, window_params = [{transform_indices = @transform_0, window_bounds = array<i64: 2048, 128>}, {pipeline_mode = #tpu.pipeline_mode<synchronous>, transform_indices = @transform_1, window_bounds = array<i64: 128, 128>}, {pipeline_mode = #tpu.pipeline_mode<synchronous>, transform_indices = @transform_2, window_bounds = array<i64: 1, 128>}, {pipeline_mode = #tpu.pipeline_mode<synchronous>, transform_indices = @transform_3, window_bounds = array<i64: 128, 1>}, {pipeline_mode = #tpu.pipeline_mode<synchronous>, transform_indices = @transform_4, window_bounds = array<i64: 1, 1>}, {pipeline_mode = #tpu.pipeline_mode<synchronous>, transform_indices = @transform_5, window_bounds = array<i64: 128, 128>}, {pipeline_mode = #tpu.pipeline_mode<synchronous>, transform_indices = @transform_6, window_bounds = array<i64: 1, 128>}, {pipeline_mode = #tpu.pipeline_mode<synchronous>, transform_indices = @transform_7, window_bounds = array<i64: 128, 1>}, {pipeline_mode = #tpu.pipeline_mode<synchronous>, transform_indices = @transform_8, window_bounds = array<i64: 1, 1>}, {transform_indices = @transform_9, window_bounds = array<i64: 6, 5, 2048>}, {transform_indices = @transform_10, window_bounds = array<i64: 2048, 3>}, {transform_indices = @transform_11, window_bounds = array<i64: 2048, 3>}]} {
    %get3A = arith.constant 0 : index
    %get3A_0 = arith.constant 0 : index
    %get3A_1 = vector.load %arg1[%get3A, %get3A_0] : memref<2048x128xf32, #tpu.memory_space<vmem>>, vector<2048x128xf32>
    %get3A_2 = arith.constant 0 : index
    %get3A_3 = arith.constant 0 : index
    %get3A_4 = vector.load %arg2[%get3A_2, %get3A_3] : memref<128x128xf32, #tpu.memory_space<vmem>>, vector<128x128xf32>
    %dot_general3A = arith.constant dense<0.000000e+00> : vector<2048x128xf32>
    %dot_general3A_5 = tpu.matmul %get3A_1, %get3A_4, %dot_general3A {dimension_numbers = #tpu.dot_dimension_numbers<[1], [0], [0], [1], [0, 0, 1, 1], [], []>, transpose_lhs_hint = false} : vector<2048x128xf32>, vector<128x128xf32>, vector<2048x128xf32> -> vector<2048x128xf32>
    %get3A_6 = arith.constant 0 : index
    %get3A_7 = arith.constant 0 : index
    %get3A_8 = vector.load %arg3[%get3A_6, %get3A_7] : memref<1x128xf32, #tpu.memory_space<vmem>>, vector<1x128xf32>
    %add3A = vector.broadcast %get3A_8 : vector<1x128xf32> to vector<2048x128xf32>
    %add3A_9 = arith.addf %dot_general3A_5, %add3A : vector<2048x128xf32>
    %max3A = arith.constant 0.000000e+00 : f32
    %max3A_10 = vector.broadcast %max3A : f32 to vector<2048x128xf32>
    %max3A_11 = arith.maximumf %add3A_9, %max3A_10 : vector<2048x128xf32>
    %get3A_12 = arith.constant 0 : index
    %get3A_13 = arith.constant 0 : index
    %get3A_14 = vector.load %arg4[%get3A_12, %get3A_13] : memref<128x1xf32, #tpu.memory_space<vmem>>, vector<128x1xf32>
    %dot_general3A_15 = arith.constant dense<0.000000e+00> : vector<2048x1xf32>
    %dot_general3A_16 = tpu.matmul %max3A_11, %get3A_14, %dot_general3A_15 {dimension_numbers = #tpu.dot_dimension_numbers<[1], [0], [0], [1], [0, 0, 1, 1], [], []>, transpose_lhs_hint = false} : vector<2048x128xf32>, vector<128x1xf32>, vector<2048x1xf32> -> vector<2048x1xf32>
    %get3A_17 = arith.constant 0 : index
    %get3A_18 = arith.constant 0 : index
    %get3A_19 = vector.load %arg5[%get3A_17, %get3A_18] : memref<1x1xf32, #tpu.memory_space<vmem>>, vector<1x1xf32>
    %add3A_20 = vector.broadcast %get3A_19 : vector<1x1xf32> to vector<2048x1xf32>
    %add3A_21 = arith.addf %dot_general3A_16, %add3A_20 : vector<2048x1xf32>
    %get3A_22 = arith.constant 0 : index
    %get3A_23 = arith.constant 0 : index
    %get3A_24 = vector.load %arg6[%get3A_22, %get3A_23] : memref<128x128xf32, #tpu.memory_space<vmem>>, vector<128x128xf32>
    %dot_general3A_25 = arith.constant dense<0.000000e+00> : vector<2048x128xf32>
    %dot_general3A_26 = tpu.matmul %get3A_1, %get3A_24, %dot_general3A_25 {dimension_numbers = #tpu.dot_dimension_numbers<[1], [0], [0], [1], [0, 0, 1, 1], [], []>, transpose_lhs_hint = false} : vector<2048x128xf32>, vector<128x128xf32>, vector<2048x128xf32> -> vector<2048x128xf32>
    %get3A_27 = arith.constant 0 : index
    %get3A_28 = arith.constant 0 : index
    %get3A_29 = vector.load %arg7[%get3A_27, %get3A_28] : memref<1x128xf32, #tpu.memory_space<vmem>>, vector<1x128xf32>
    %add3A_30 = vector.broadcast %get3A_29 : vector<1x128xf32> to vector<2048x128xf32>
    %add3A_31 = arith.addf %dot_general3A_26, %add3A_30 : vector<2048x128xf32>
    %max3A_32 = arith.constant 0.000000e+00 : f32
    %max3A_33 = vector.broadcast %max3A_32 : f32 to vector<2048x128xf32>
    %max3A_34 = arith.maximumf %add3A_31, %max3A_33 : vector<2048x128xf32>
    %get3A_35 = arith.constant 0 : index
    %get3A_36 = arith.constant 0 : index
    %get3A_37 = vector.load %arg8[%get3A_35, %get3A_36] : memref<128x1xf32, #tpu.memory_space<vmem>>, vector<128x1xf32>
    %dot_general3A_38 = arith.constant dense<0.000000e+00> : vector<2048x1xf32>
    %dot_general3A_39 = tpu.matmul %max3A_34, %get3A_37, %dot_general3A_38 {dimension_numbers = #tpu.dot_dimension_numbers<[1], [0], [0], [1], [0, 0, 1, 1], [], []>, transpose_lhs_hint = false} : vector<2048x128xf32>, vector<128x1xf32>, vector<2048x1xf32> -> vector<2048x1xf32>
    %get3A_40 = arith.constant 0 : index
    %get3A_41 = arith.constant 0 : index
    %get3A_42 = vector.load %arg9[%get3A_40, %get3A_41] : memref<1x1xf32, #tpu.memory_space<vmem>>, vector<1x1xf32>
    %add3A_43 = vector.broadcast %get3A_42 : vector<1x1xf32> to vector<2048x1xf32>
    %add3A_44 = arith.addf %dot_general3A_39, %add3A_43 : vector<2048x1xf32>
    %get3A_45 = arith.constant 0 : index
    %get3A_46 = arith.constant 0 : index
    %get3A_47 = arith.constant 0 : index
    %get3A_48 = vector.load %arg10[%get3A_45, %get3A_46, %get3A_47] : memref<6x5x2048xf32, #tpu.memory_space<vmem>>, vector<6x5x2048xf32>
    %slice3A = vector.extract_strided_slice %get3A_48 {offsets = [0, 0, 0], sizes = [6, 1, 2048], strides = [1, 1, 1]} : vector<6x5x2048xf32> to vector<6x1x2048xf32>
    %squeeze3A = vector.shape_cast %slice3A : vector<6x1x2048xf32> to vector<6x2048xf32>
    %slice3A_49 = vector.extract_strided_slice %get3A_48 {offsets = [0, 1, 0], sizes = [6, 1, 2048], strides = [1, 1, 1]} : vector<6x5x2048xf32> to vector<6x1x2048xf32>
    %squeeze3A_50 = vector.shape_cast %slice3A_49 : vector<6x1x2048xf32> to vector<6x2048xf32>
    %add3A_51 = arith.addf %squeeze3A, %squeeze3A_50 : vector<6x2048xf32>
    %slice3A_52 = vector.extract_strided_slice %get3A_48 {offsets = [0, 2, 0], sizes = [6, 1, 2048], strides = [1, 1, 1]} : vector<6x5x2048xf32> to vector<6x1x2048xf32>
    %squeeze3A_53 = vector.shape_cast %slice3A_52 : vector<6x1x2048xf32> to vector<6x2048xf32>
    %add3A_54 = arith.addf %add3A_51, %squeeze3A_53 : vector<6x2048xf32>
    %slice3A_55 = vector.extract_strided_slice %get3A_48 {offsets = [0, 3, 0], sizes = [6, 1, 2048], strides = [1, 1, 1]} : vector<6x5x2048xf32> to vector<6x1x2048xf32>
    %squeeze3A_56 = vector.shape_cast %slice3A_55 : vector<6x1x2048xf32> to vector<6x2048xf32>
    %add3A_57 = arith.addf %add3A_54, %squeeze3A_56 : vector<6x2048xf32>
    %slice3A_58 = vector.extract_strided_slice %get3A_48 {offsets = [0, 4, 0], sizes = [6, 1, 2048], strides = [1, 1, 1]} : vector<6x5x2048xf32> to vector<6x1x2048xf32>
    %squeeze3A_59 = vector.shape_cast %slice3A_58 : vector<6x1x2048xf32> to vector<6x2048xf32>
    %add3A_60 = arith.addf %add3A_57, %squeeze3A_59 : vector<6x2048xf32>
    %slice3A_61 = vector.extract_strided_slice %add3A_60 {offsets = [0, 0], sizes = [3, 2048], strides = [1, 1]} : vector<6x2048xf32> to vector<3x2048xf32>
    %transpose3A = tpu.transpose %slice3A_61, [1, 0] : vector<3x2048xf32> -> vector<2048x3xf32>
    %slice3A_62 = vector.extract_strided_slice %add3A_60 {offsets = [3, 0], sizes = [3, 2048], strides = [1, 1]} : vector<6x2048xf32> to vector<3x2048xf32>
    %transpose3A_63 = tpu.transpose %slice3A_62, [1, 0] : vector<3x2048xf32> -> vector<2048x3xf32>
    %mul3A = vector.broadcast %add3A_21 : vector<2048x1xf32> to vector<2048x3xf32>
    %mul3A_64 = arith.mulf %mul3A, %transpose3A : vector<2048x3xf32>
    %swap3A = arith.constant 0 : index
    %swap3A_65 = arith.constant 0 : index
    %swap3A_66 = vector.load %arg11[%swap3A, %swap3A_65] : memref<2048x3xf32, #tpu.memory_space<vmem>>, vector<2048x3xf32>
    tpu.vector_store %arg11[%swap3A, %swap3A_65], %mul3A_64 {strides = array<i32>} : memref<2048x3xf32, #tpu.memory_space<vmem>>, vector<2048x3xf32>,
    %mul3A_67 = vector.broadcast %add3A_44 : vector<2048x1xf32> to vector<2048x3xf32>
    %mul3A_68 = arith.mulf %mul3A_67, %transpose3A_63 : vector<2048x3xf32>
    %swap3A_69 = arith.constant 0 : index
    %swap3A_70 = arith.constant 0 : index
    %swap3A_71 = vector.load %arg12[%swap3A_69, %swap3A_70] : memref<2048x3xf32, #tpu.memory_space<vmem>>, vector<2048x3xf32>
    tpu.vector_store %arg12[%swap3A_69, %swap3A_70], %mul3A_68 {strides = array<i32>} : memref<2048x3xf32, #tpu.memory_space<vmem>>, vector<2048x3xf32>,
    return
  }
  func.func @transform_0(%arg0: i32) -> (i32, i32) {
    %c0_i32 = arith.constant 0 : i32
    %c0_i32_0 = arith.constant 0 : i32
    return %arg0, %c0_i32 : i32, i32
  }
  func.func @transform_1(%arg0: i32) -> (i32, i32) {
    %c0_i32 = arith.constant 0 : i32
    %c0_i32_0 = arith.constant 0 : i32
    %c0_i32_1 = arith.constant 0 : i32
    return %c0_i32, %c0_i32_0 : i32, i32
  }
  func.func @transform_2(%arg0: i32) -> (i32, i32) {
    %c0_i32 = arith.constant 0 : i32
    %c0_i32_0 = arith.constant 0 : i32
    %c0_i32_1 = arith.constant 0 : i32
    return %c0_i32, %c0_i32_0 : i32, i32
  }
  func.func @transform_3(%arg0: i32) -> (i32, i32) {
    %c0_i32 = arith.constant 0 : i32
    %c0_i32_0 = arith.constant 0 : i32
    %c0_i32_1 = arith.constant 0 : i32
    return %c0_i32, %c0_i32_0 : i32, i32
  }
  func.func @transform_4(%arg0: i32) -> (i32, i32) {
    %c0_i32 = arith.constant 0 : i32
    %c0_i32_0 = arith.constant 0 : i32
    %c0_i32_1 = arith.constant 0 : i32
    return %c0_i32, %c0_i32_0 : i32, i32
  }
  func.func @transform_5(%arg0: i32) -> (i32, i32) {
    %c0_i32 = arith.constant 0 : i32
    %c0_i32_0 = arith.constant 0 : i32
    %c0_i32_1 = arith.constant 0 : i32
    return %c0_i32, %c0_i32_0 : i32, i32
  }
  func.func @transform_6(%arg0: i32) -> (i32, i32) {
    %c0_i32 = arith.constant 0 : i32
    %c0_i32_0 = arith.constant 0 : i32
    %c0_i32_1 = arith.constant 0 : i32
    return %c0_i32, %c0_i32_0 : i32, i32
  }
  func.func @transform_7(%arg0: i32) -> (i32, i32) {
    %c0_i32 = arith.constant 0 : i32
    %c0_i32_0 = arith.constant 0 : i32
    %c0_i32_1 = arith.constant 0 : i32
    return %c0_i32, %c0_i32_0 : i32, i32
  }
  func.func @transform_8(%arg0: i32) -> (i32, i32) {
    %c0_i32 = arith.constant 0 : i32
    %c0_i32_0 = arith.constant 0 : i32
    %c0_i32_1 = arith.constant 0 : i32
    return %c0_i32, %c0_i32_0 : i32, i32
  }
  func.func @transform_9(%arg0: i32) -> (i32, i32, i32) {
    %c0_i32 = arith.constant 0 : i32
    %c0_i32_0 = arith.constant 0 : i32
    %c0_i32_1 = arith.constant 0 : i32
    return %c0_i32, %c0_i32_0, %arg0 : i32, i32, i32
  }
  func.func @transform_10(%arg0: i32) -> (i32, i32) {
    %c0_i32 = arith.constant 0 : i32
    %c0_i32_0 = arith.constant 0 : i32
    return %arg0, %c0_i32 : i32, i32
  }
  func.func @transform_11(%arg0: i32) -> (i32, i32) {
    %c0_i32 = arith.constant 0 : i32
    %c0_i32_0 = arith.constant 0 : i32
    return %arg0, %c0_i32 : i32, i32
  }
}

</mosaic_0001>

<sc_bundles>
// kernel: kernel.5.cloned.1.call-start
scs
__scs_entry_jumppad:
0x0: {  	(pc) =	sbr.rel $0x88, $3  }
0x1: {  	(tag) =	ssettag $0x0;
	lr =	simm.s32 $0x1  }
0x2: {  	[smem:$0x3F95] =	sst lr;
	_ =	strace $0xD0000000  }
0x3: {  	_ = 	snop  }
0x4: {  	_ = 	snop  }
0x5: {  	_ = 	snop  }
0x6: {  	_ = 	snop  }
0x7: {  	_ = 	snop  }
__scs_overlays_trampoline_lowered:
0x8: {  	[smem:$0x3FA4] =	sst s0  }
0x9: {  	[smem:$0x3FA5] =	sst s1  }
0xa: {  	[smem:$0x3FA6] =	sst s2  }
0xb: {  	[smem:$0x3FA7] =	sst s3  }
0xc: {  	[smem:$0x3FA8] =	sst s4  }
0xd: {  	[smem:$0x3FA9] =	sst s5  }
0xe: {  	[smem:$0x3FAA] =	sst s6  }
0xf: {  	[smem:$0x3FAB] =	sst s7  }
0x10: {  	[smem:$0x3FAC] =	sst s8  }
0x11: {  	[smem:$0x3FAD] =	sst s9;
	s0 =	simm.s32 @!p0 $0x0  }
0x12: {  	s1 =	sld [smem:$0x3F93];
	s0 =	simm.s32 @p0 $0x1  }
0x13: {  	[smem:$0x3FAE] =	sst s0;
	s0 =	simm.s32 @!p1 $0x0  }
0x14: {  	s2 =	sld [smem:$0x3F92];
	s0 =	simm.s32 @p1 $0x1  }
0x15: {  	[smem:$0x3FAF] =	sst s0;
	s0 =	simm.s32 @!p2 $0x0  }
0x16: {  	s3 =	sld [smem:$0x3FDB];
	s0 =	simm.s32 @p2 $0x1  }
0x17: {  	s4 =	simm.s32 $0x1BF5;
	[smem:$0x3FB1] =	sst s0  }
0x18: {  	s0 =	sld [smem:$0x3F94];
	_ =	swait.ge [sflag:s4], $0x0  }
0x19: {  	s7 =	sld [smem:$0x3F95]  }
0x1a: {  	s8 =	sadd.s32 $0xFFFFE003, lr  }
0x1b: {  	s9 =	sadd.s32 $0xFFFFFEF7, lr;
	s5 =	simm.s32 $0xFFFFFFFF;
	p2 =	slt.u32 s8, $0xFFFFF086  }
0x1c: {  	p1 =	slt.u32 s9, $0xF7A;
	s5 =	simm.s32 @!p2 $0x0  }
0x1d: {  	s5 =	simm.s32 @p1 $0x1;
	p0 =	seq.s32 s7, s2  }
0x1e: {  	s7 =	smul.u32 @!p0 $0xF7A, s2;
	p2 =	seq.s32 @!p0 s5, $0x0  }
0x1f: {  	s9 =	smul.u32 $0xF7A, s1;
	s8 =	simm.s32 @!p0 $0x1BF5;
	p2 =	por !p2, p0  }
0x20: {  	[sflag:s8] =	ssyncset.s32 @!p0 $0xFFFFF086;
	s6 =	sadd.s32 @!p0 s3, s7;
	s7 =	simm.s32 @!p0 $0x108  }
0x21: {  	s3 =	sadd.s32 s3, s9;
	s6 =	sadd.s32 @!p0 $0x88, s6;
	s7 =	simm.s32 @p2 $0x1082  }
0x22: {  	[simem:s7], [sflag:s8] =	dma.local @!p0 [hbm:s6], $0xF7A  }
0x23: {  	s9 =	sor.u32 $0xD0000000, s2;
	s6 =	simm.s32 $0x108;
	_ =	swait.ge @!p0 [sflag:s8], $0x0  }
0x24: {  	s3 =	sadd.s32 $0x88, s3;
	s6 =	simm.s32 @!p1 $0x1082;
	[sflag:s4] =	ssyncset.s32 $0xFFFFF086  }
0x25: {  	[simem:s6], [sflag:s4] =	dma.local [hbm:s3], $0xF7A  }
0x26: {  	[smem:$0x3F95] =	sst s1;
	(tag) =	ssettag s2;
	_ =	strace s9  }
0x27: {  	s1 =	sld [smem:$0x3FA5]  }
0x28: {  	s2 =	sld [smem:$0x3FA6]  }
0x29: {  	s4 =	sld [smem:$0x3FA8]  }
0x2a: {  	p0 =	seq.s32 s5, $0x0;
	s5 =	sld [smem:$0x3FA9]  }
0x2b: {  	s6 =	sld [smem:$0x3FAA]  }
0x2c: {  	s7 =	sld [smem:$0x3FAB]  }
0x2d: {  	s3 =	simm.s32 $0x108;
	s8 =	sld [smem:$0x3FAC]  }
0x2e: {  	s3 =	simm.s32 @!p0 $0x1082;
	s9 =	sld [smem:$0x3FAD]  }
0x2f: {  	lr =	sadd.s32 s0, s3;
	s0 =	sld [smem:$0x3FA4]  }
0x30: {  	s3 =	sld [smem:$0x3FA7]  }
0x31: {  	[smem:$0x3FB0] =	sst s10  }
0x32: {  	s10 =	sld [smem:$0x3FAE];
	_ =	sdelay $0x3  }
0x33: {  	p0 =	seq.s32 s10, $0x1;
	s10 =	sld [smem:$0x3FB0];
	_ =	sdelay $0x3  }
0x34: {  	[smem:$0x3FB0] =	sst s10  }
0x35: {  	s10 =	sld [smem:$0x3FAF];
	_ =	sdelay $0x3  }
0x36: {  	p1 =	seq.s32 s10, $0x1;
	s10 =	sld [smem:$0x3FB0];
	_ =	sdelay $0x3  }
0x37: {  	[smem:$0x3FB0] =	sst s10  }
0x38: {  	s10 =	sld [smem:$0x3FB1]  }
0x39: {  	_ = 	snop;
	(pc) =	sbr.ind lr, $3  }
0x3a: {  	_ = 	snop  }
0x3b: {  	_ = 	snop  }
0x3c: {  	p2 =	seq.s32 s10, $0x1;
	s10 =	sld [smem:$0x3FB0]  }
0x3d: {  	_ =	shalt  }
0x3e: {  	_ =	shalt  }
0x3f: {  	_ =	shalt  }
0x40: {  	_ =	shalt  }
0x41: {  	_ =	shalt  }
0x42: {  	_ =	shalt  }
0x43: {  	_ =	shalt  }
0x44: {  	_ =	shalt  }
0x45: {  	_ =	shalt  }
0x46: {  	_ =	shalt  }
0x47: {  	_ =	shalt  }
0x48: {  	_ =	shalt  }
0x49: {  	_ =	shalt  }
0x4a: {  	_ =	shalt  }
0x4b: {  	_ =	shalt  }
0x4c: {  	_ =	shalt  }
0x4d: {  	_ =	shalt  }
0x4e: {  	_ =	shalt  }
0x4f: {  	_ =	shalt  }
0x50: {  	_ =	shalt  }
0x51: {  	_ =	shalt  }
0x52: {  	_ =	shalt  }
0x53: {  	_ =	shalt  }
0x54: {  	_ =	shalt  }
0x55: {  	_ =	shalt  }
0x56: {  	_ =	shalt  }
0x57: {  	_ =	shalt  }
0x58: {  	_ =	shalt  }
0x59: {  	_ =	shalt  }
0x5a: {  	_ =	shalt  }
0x5b: {  	_ =	shalt  }
0x5c: {  	_ =	shalt  }
0x5d: {  	_ =	shalt  }
0x5e: {  	_ =	shalt  }
0x5f: {  	_ =	shalt  }
0x60: {  	_ =	shalt  }
0x61: {  	_ =	shalt  }
0x62: {  	_ =	shalt  }
0x63: {  	_ =	shalt  }
0x64: {  	_ =	shalt  }
0x65: {  	_ =	shalt  }
0x66: {  	_ =	shalt  }
0x67: {  	_ =	shalt  }
0x68: {  	_ =	shalt  }
0x69: {  	_ =	shalt  }
0x6a: {  	_ =	shalt  }
0x6b: {  	_ =	shalt  }
0x6c: {  	_ =	shalt  }
0x6d: {  	_ =	shalt  }
0x6e: {  	_ =	shalt  }
0x6f: {  	_ =	shalt  }
0x70: {  	_ =	shalt  }
0x71: {  	_ =	shalt  }
0x72: {  	_ =	shalt  }
0x73: {  	_ =	shalt  }
0x74: {  	_ =	shalt  }
0x75: {  	_ =	shalt  }
0x76: {  	_ =	shalt  }
0x77: {  	_ =	shalt  }
0x78: {  	_ =	shalt  }
0x79: {  	_ =	shalt  }
0x7a: {  	_ =	shalt  }
0x7b: {  	_ =	shalt  }
0x7c: {  	_ =	shalt  }
0x7d: {  	_ =	shalt  }
0x7e: {  	_ =	shalt  }
0x7f: {  	_ =	shalt  }
0x80: {  	_ =	shalt  }
0x81: {  	_ =	shalt  }
0x82: {  	_ =	shalt  }
0x83: {  	_ =	shalt  }
0x84: {  	_ =	shalt  }
0x85: {  	_ =	shalt  }
0x86: {  	_ =	shalt  }
0x87: {  	_ =	shalt  }
.Lfunc_end0:
.L_simem_size_0:
called_computation_lowered:
.L_overlay_start_0:
0x88: {  	s2 =	sld [smem:$0x3FD9]  }
0x89: {  	s3 =	sld [smem:$0x3FFE];
	_ =	sdelay $0x1  }
0x8a: {  	s1 =	srdreg.scid  }
0x8b: {  	s0 =	sand.u32 $0x1, s1  }
0x8c: {  	s16 =	sshll.u32 s0, $0xA;
	s2 =	sadd.s32 s3, s2  }
0x8d: {  	s2 =	sadd.s32 s2, s16  }
0x8e: {  	[smem:$0x3FBC] =	sst s2  }
0x8f: {  	_ = 	snop  }
0x90: {  	(tm) =	ssettm $0x1  }
0x91: {  	s17 =	sld [smem:$0x3FFB];
	_ =	sdelay $0x3  }
0x92: {  	_ =	strace s17  }
0x93: {  	s2 =	sld [smem:$0x3FFC];
	_ =	sdelay $0x3  }
0x94: {  	_ =	strace s2  }
0x95: {  	s2 =	sld [smem:$0x3FFD];
	_ =	sdelay $0x3  }
0x96: {  	_ =	strace s2  }
0x97: {  	_ =	strace $0x8FFFFFFF  }
0x98: {  	s18 =	sld [smem:$0x3FDB];
	_ =	sdelay $0x1  }
0x99: {  	s19 =	simm.s32 $_scs_section_size  }
0x9a: {  	s4 =	simm.s32 $_size__tile_overlayer_lowered;
	s5 =	simm.s32 $_tile_overlayer_lowered  }
0x9b: {  	s22 =	simm.s32 $0x1BFF;
	s21 =	sshll.u32 s5, $0x1;
	s2 =	sadd.s32 s19, s18  }
0x9c: {  	s6 =	simm.s32 $0x0;
	s20 =	sshll.u32 s4, $0x1;
	s4 =	sadd.s32 s21, s2  }
0x9d: {  	[timem:s6], [sflag:s22] =	dma.local [hbm:s4], s20  }
0x9e: {  	_ =	swait.ge [sflag:s22], s20  }
0x9f: {  	s3 =	ssub.s32 $0x0, s20;
	[sflag:s22] =	ssyncset.done $0x0  }
0xa0: {  	[sflag:s22] =	ssyncadd.s32 s3;
	_ =	sdelay $0x1  }
0xa1: {  	s23 =	simm.s32 $0x1B8B  }
0xa2: {  	_ =	swait.ge [sflag:s23], $0x1  }
0xa3: {  	[sflag:s23] =	ssyncset.done $0x0  }
0xa4: {  	s25 =	simm.s32 $0x1B8E;
	s24 =	sld [smem:$0x3FFE];
	[sflag:s23] =	ssyncadd.s32 $0xFFFFFFFF  }
0xa5: {  	s26 =	simm.s32 $execute0_lowered;
	[smem:$0x3FD2] =	sst s25  }
0xa6: {  	s4 =	sshll.u32 s26, $0x1;
	_ =	strace $0x80000046;
	[dreg:$0x1] =	wrdreg $0xFFFFFFFF  }
0xa7: {  	s28 =	simm.s32 $_size_execute0_lowered;
	s2 =	sadd.s32 s2, s4;
	[dreg:$0x0] =	wrdreg $0x0  }
0xa8: {  	s4 =	sshll.u32 s28, $0x1;
	[dreg:$0x2] =	wrdreg s2  }
0xa9: {  	[dreg:$0x3] =	wrdreg s4  }
0xaa: {  	[dreg:$0x4] =	wrdreg $0xC0  }
0xab: {  	_ =	task [dreg:s6], $0x5FFFF  }
0xac: {  	[dreg:$0x1] =	wrdreg $0xFFFFFFFF  }
0xad: {  	[dreg:$0x0] =	wrdreg $0x60  }
0xae: {  	[dreg:$0x2] =	wrdreg s24  }
0xaf: {  	[dreg:$0x3] =	wrdreg $0x9  }
0xb0: {  	_ =	task.clear_ibuf [dreg:s6], $0x4FFFF;
	_ =	strace $0x90000046  }
0xb1: {  	s29 =	simm.s32 $0x9;
	_ =	strace $0x80000048  }
0xb2: {  	_ =	swait.ge [sflag:s29], $0x1  }
0xb3: {  	[sflag:s29] =	ssyncadd.s32 $0xFFFFFFFF  }
0xb4: {  	_ =	strace $0x90000048  }
0xb5: {  	_ =	sfence  }
0xb6: {  	s30 =	sld [smem:$0x0];
	_ =	sdelay $0x2  }
0xb7: {  	s31 =	sshll.u32 s1, $0xD;
	s1 =	sshrl.u32 s1, $0x2  }
0xb8: {  	s3 =	sand.u32 $0x4000, s31;
	s1 =	sadd.s32 s1, s30  }
0xb9: {  	s0 =	sor.u32 s3, s0;
	s1 =	sshll.u32 s1, $0x11  }
0xba: {  	s0 =	sor.u32 s1, s0  }
0xbb: {  	s0 =	sadd.s32 $0x8F2B, s0  }
0xbc: {  	[sflag:s0] =	ssyncadd.remote.s32 $0x1  }
0xbd: {  	_ =	sfence.sel $0xFFFF  }
0xbe: {  	[dreg:$0x0] =	wrdreg $0xFFFFFFFF;
	(pc) =	sbr.abs _section_cstart, $3  }
0xbf: {  	[dreg:$0x1] =	wrdreg $0xFFFFFFFF  }
0xc0: {  	_ =	task.clear_ibuf [dreg:s6], $0x2FFFF;
	_ =	strace $0x9FFFFFFF  }
0xc1: {  	(tm) =	ssettm $0x7FFFFFFF  }
tec
execute0_lowered:
.L_overlay_start_1:
0x0: {  	(tag) =	ssettag $0x1  }
0x1: {  	s1 =	stileid.u32  }
0x2: {  	p0 =	seq.s32 s1, $0xF  }
.Ltmp0:
0x3: {  	_ = 	snop;
	(pc) =	sbr.rel @p0 .LBB2_17-.Ltmp0, $4  }
0x4: {  	_ = 	snop  }
0x5: {  	s8 =	rddreg [dreg:$0x0];
	s2 =	simm.s32 $0x0  }
0x6: {  	[smem:$0x7FF] =	sst s2  }
0x7: {  	s0 =	rddreg [dreg:$0x1];
	_ =	strace $0x80000047  }
0x8: {  	s3 =	srdreg.scid  }
0x9: {  	s29 =	sshll.u32 s1, $0x1;
	s9 =	sand.u32 $0x1, s3  }
0xa: {  	s10 =	sor.u32 s9, s29  }
0xb: {  	s3 =	smul.u32 $0x34, s10  }
0xc: {  	s13 =	sadd.s32 $0x61A9600, s8;
	s15 =	sadd.s32 $0x620B200, s8  }
0xd: {  	s4 =	sadd.s32 $0x626CE00, s8;
	s5 =	sadd.s32 $0x62CEA00, s8;
	s14 =	sshrl.u32 s3, $0x8  }
0xe: {  	s30 =	ssub.s32 $0x2, s9;
	s16 =	sadd.s32 $0xFFFFFFE7, s10;
	s3 =	smul.u32 $0xFFFFFFFB, s14  }
0xf: {  	s31 =	sshrl.u32 s30, $0x1;
	p4 =	sgt.u32 s16, $0x4;
	s6 =	smul.u32 $0x7A800, s14  }
0x10: {  	p0 =	seq.s32 s14, $0x0;
	p3 =	seq.s32 s14, $0x4;
	p5 =	seq.s32 s14, $0x5  }
0x11: {  	p1 =	seq.s32 @!p0 s14, $0x1;
	s15 =	smov.u32 @p0 s13;
	s13 =	simm.s32 $0x19C00  }
0x12: {  	s11 =	sadd.s32 s10, s3;
	s3 =	sadd.s32 $0x1600, s8;
	s10 =	ssub.s32 s30, s31  }
0x13: {  	p2 =	por p0, p1;
	p0 =	sgt.s32 s14, $0x2;
	s7 =	smul.u32 $0x18800, s11  }
0x14: {  	s10 =	smax.u32 s10, $0x1;
	p1 =	seq.s32 @!p2 s14, $0x2;
	s4 =	smov.u32 @p2 s15  }
0x15: {  	p1 =	por p2, p1;
	p2 =	seq.s32 s14, $0x3;
	s12 =	sadd.s32 s6, s7  }
0x16: {  	s14 =	simm.s32 $0x0;
	s6 =	sadd.s32 $0x6330600, s8;
	s12 =	sshrl.u32 s12, $0x3  }
0x17: {  	s7 =	sadd.s32 $0x6392200, s8;
	s12 =	sadd.s32 s12, s8;
	s8 =	smul.u32 $0x1388, s11  }
0x18: {  	v0 =	vimm.f32 $0.0e+00;
	s11 =	simm.s32 $0x18800;
	s9 =	sadd.s32 $0x63200, s12;
	s12 =	simm.s32 $0x1  }
.LBB2_2:
0x19: {  	s15 =	simm.s32 $0x0;
	s16 =	simm.s32 $0x40;
	s17 =	simm.s32 $0x0  }
.LBB2_3:
0x1a: {  	p6 =	sne.s32 s16, $0x61FC0;
	[tilespmem:s17+$0x0] =	vst v0;
	s17 =	smov.u32 s16;
	s16 =	sadd.s32 $0x40, s16  }
.Ltmp1:
0x1b: {  	(pc) =	sbr.rel @p6 .LBB2_3-.Ltmp1, $2  }
0x1c: {  	_ =	sdelay $0x2  }
0x1d: {  	s17 =	sshra.s32 s17, $0x2  }
0x1e: {  	[tilespmem:s17+$0x0] =	vst v0  }
.LBB2_5:
0x1f: {  	s16 =	smul.u32 $0x28, s15;
	_ =	sdelay $0x1  }
0x20: {  	s16 =	sadd.s32 s8, s16  }
0x21: {  	s16 =	sshll.u32 s16, $0x4  }
0x22: {  	s16 =	sand.u32 $0x1FFFFF80, s16  }
.Ltmp2:
0x23: {  	s17 =	sadd.s32 s3, s16;
	(pc) =	sbr.rel @p0 .LBB2_7-.Ltmp2, $4  }
0x24: {  	[tilespmem:s11], [sflag:$0x1] =	stream.linear.gather [hbm4b:s17+s2], $0x1400, $0x38;
	[tilespmem:$0x1B000] =	vst v63  }
0x25: {  	_ =	swait.ge [sflag:s12], $0x1400  }
0x26: {  	[sflag:s12] =	ssyncset.done $0x0  }
0x27: {  	[sflag:s12] =	ssyncadd.s32 $0xFFFFEC00  }
.Ltmp3:
0x28: {  	(pc) =	sbr.rel @p1 .LBB2_12-.Ltmp3, $4  }
.Ltmp4:
0x29: {  	(pc) =	sbr.rel @!p1 .LBB2_13-.Ltmp4, $4  }
0x2a: {  	_ = 	snop  }
0x2b: {  	_ = 	snop  }
0x2c: {  	s17 =	smov.u32 s4  }
0x2d: {  	_ = 	snop  }
.LBB2_7:
.Ltmp5:
0x2e: {  	(pc) =	sbr.rel @p2 .LBB2_12-.Ltmp5, $2  }
0x2f: {  	_ =	sdelay $0x2  }
0x30: {  	s17 =	smov.u32 s5  }
.Ltmp6:
0x31: {  	(pc) =	sbr.rel @p3 .LBB2_10-.Ltmp6, $1  }
0x32: {  	_ =	sdelay $0x3  }
.Ltmp7:
0x33: {  	(pc) =	sbr.rel @p5 .LBB2_11-.Ltmp7, $4  }
.Ltmp8:
0x34: {  	(pc) =	sbr.rel @!p5 .LBB2_13-.Ltmp8, $4  }
0x35: {  	_ = 	snop  }
0x36: {  	_ = 	snop  }
0x37: {  	_ = 	snop  }
0x38: {  	_ = 	snop  }
.LBB2_10:
.Ltmp9:
0x39: {  	s17 =	sadd.s32 s6, s16;
	(pc) =	sbr.rel @p4 .LBB2_13-.Ltmp9, $4  }
0x3a: {  	[tilespmem:s13], [sflag:$0x1] =	stream.linear.gather [hbm4b:s17+s2], $0x1400, $0x38;
	[tilespmem:$0x1B000] =	vst v63  }
0x3b: {  	_ =	swait.ge [sflag:s12], $0x1400  }
0x3c: {  	[sflag:s12] =	ssyncset.done $0x0  }
0x3d: {  	[sflag:s12] =	ssyncadd.s32 $0xFFFFEC00  }
.LBB2_11:
0x3e: {  	s17 =	smov.u32 s7  }
.LBB2_12:
0x3f: {  	s16 =	sadd.s32 s17, s16  }
0x40: {  	[tilespmem:s13], [sflag:$0x1] =	stream.linear.gather [hbm4b:s16+s2], $0x1400, $0x38;
	[tilespmem:$0x1B000] =	vst v63  }
0x41: {  	_ =	swait.ge [sflag:s12], $0x1400  }
0x42: {  	[sflag:s12] =	ssyncset.done $0x0  }
0x43: {  	[sflag:s12] =	ssyncadd.s32 $0xFFFFEC00  }
.LBB2_13:
0x44: {  	s16 =	simm.s32 $0x0  }
.LBB2_14:
0x45: {  	s17 =	sshra.s32 s16, $0x2  }
0x46: {  	v1 =	vld [tilespmem:s17+$0x18800];
	_ =	sdelay $0x2  }
0x47: {  	v2 =	vld [tilespmem:s17+$0x19C00];
	_ =	sdelay $0x4  }
0x48: {  	[tilespmem:v1+s2+$0x0] =	vst.idx.add.f32.msk $0xffff, v2  }
0x49: {  	v1 =	vld [tilespmem:s17+$0x18810];
	_ =	sdelay $0x2  }
0x4a: {  	v2 =	vld [tilespmem:s17+$0x19C10];
	_ =	sdelay $0x4  }
0x4b: {  	[tilespmem:v1+s2+$0x0] =	vst.idx.add.f32.msk $0xffff, v2  }
0x4c: {  	v1 =	vld [tilespmem:s17+$0x18820];
	_ =	sdelay $0x2  }
0x4d: {  	v2 =	vld [tilespmem:s17+$0x19C20];
	_ =	sdelay $0x4  }
0x4e: {  	[tilespmem:v1+s2+$0x0] =	vst.idx.add.f32.msk $0xffff, v2  }
0x4f: {  	v1 =	vld [tilespmem:s17+$0x18830];
	_ =	sdelay $0x2  }
0x50: {  	v2 =	vld [tilespmem:s17+$0x19C30];
	_ =	sdelay $0x4  }
0x51: {  	[tilespmem:v1+s2+$0x0] =	vst.idx.add.f32.msk $0xffff, v2  }
0x52: {  	v1 =	vld [tilespmem:s17+$0x18840];
	_ =	sdelay $0x2  }
0x53: {  	v2 =	vld [tilespmem:s17+$0x19C40];
	_ =	sdelay $0x4  }
0x54: {  	[tilespmem:v1+s2+$0x0] =	vst.idx.add.f32.msk $0xffff, v2  }
0x55: {  	v1 =	vld [tilespmem:s17+$0x18850];
	_ =	sdelay $0x2  }
0x56: {  	v2 =	vld [tilespmem:s17+$0x19C50];
	_ =	sdelay $0x4  }
0x57: {  	[tilespmem:v1+s2+$0x0] =	vst.idx.add.f32.msk $0xffff, v2  }
0x58: {  	v1 =	vld [tilespmem:s17+$0x18860];
	_ =	sdelay $0x2  }
0x59: {  	v2 =	vld [tilespmem:s17+$0x19C60];
	_ =	sdelay $0x4  }
0x5a: {  	[tilespmem:v1+s2+$0x0] =	vst.idx.add.f32.msk $0xffff, v2  }
0x5b: {  	v1 =	vld [tilespmem:s17+$0x18870];
	_ =	sdelay $0x2  }
0x5c: {  	p6 =	sne.s32 s16, $0x4E00;
	v2 =	vld [tilespmem:s17+$0x19C70]  }
.Ltmp10:
0x5d: {  	_ = 	snop;
	(pc) =	sbr.rel @p6 .LBB2_14-.Ltmp10, $2  }
0x5e: {  	_ =	sdelay $0x2  }
0x5f: {  	s16 =	sadd.s32 $0x200, s16;
	[tilespmem:v1+s2+$0x0] =	vst.idx.add.f32.msk $0xffff, v2  }
0x60: {  	s15 =	sadd.s32 $0x1, s15  }
0x61: {  	p6 =	sne.s32 s15, $0x7D  }
.Ltmp11:
0x62: {  	_ = 	snop;
	(pc) =	sbr.rel @p6 .LBB2_5-.Ltmp11, $1  }
0x63: {  	_ =	sdelay $0x3  }
0x64: {  	s14 =	sadd.s32 $0x1, s14  }
0x65: {  	p6 =	sne.s32 s14, s10  }
.Ltmp12:
0x66: {  	_ = 	snop;
	(pc) =	sbr.rel @p6 .LBB2_2-.Ltmp12, $4  }
0x67: {  	[hbm4b:s9+s2] =	stream.linear.scatter [tilespmem:s2], [sflag:$0x1], $0x18800, $0x38;
	[tilespmem:$0x1B000] =	vst v63  }
0x68: {  	_ =	swait.ge [sflag:s12], $0x18800  }
0x69: {  	[sflag:s12] =	ssyncset.done $0x0  }
0x6a: {  	[sflag:s12] =	ssyncadd.s32 $0xFFFE7800  }
.LBB2_17:
0x6b: {  	_ =	sfence.sel $0x180000  }
0x6c: {  	[bflag:$0x0] =	sbarrier.arrive $0xFFFF  }
0x6d: {  	p0 =	sne.s32 s1, $0x0;
	_ =	strace $0x90000047  }
0x6e: {  	s0 =	sadd.s32 @!p0 $0x100000, s0;
	[bflag:$0x2] =	sbarrier.arrive $0xFFFF  }
0x6f: {  	[sflag:s0] =	ssyncadd.tile.s32 @!p0 $0x1;
	_ =	shalt  }
.Lfunc_end2:
_tile_overlayer_lowered:
.L_overlay_start_2:
0x70: {  	(tag) =	ssettag $0x2  }
0x71: {  	s0 =	rddreg [dreg:$0x0];
	s2 =	stileid.u32  }
0x72: {  	s1 =	rddreg [dreg:$0x1];
	p0 =	sne.s32 s2, $0x0  }
0x73: {  	s3 =	rddreg [dreg:$0x2];
	[bflag:$0x3] =	sbarrier.arrive $0xFFFF;
	s2 =	simm.s32 @!p0 $0x1C01  }
0x74: {  	[timem:s3], [sflag:s2] =	dma.local @!p0 [hbm:s0], s1  }
0x75: {  	s0 =	simm.s32 @!p0 $0x1  }
0x76: {  	_ =	swait.ge @!p0 [sflag:s0], s1  }
0x77: {  	s1 =	ssub.s32 @!p0 $0x0, s1;
	[sflag:s0] =	ssyncset.done @!p0 $0x0  }
0x78: {  	[sflag:s0] =	ssyncadd.s32 @!p0 s1  }
0x79: {  	[bflag:$0x3] =	sbarrier.arrive $0xFFFF  }
0x7a: {  	_ =	shalt  }

</sc_bundles>
